<compile_context>
chip_gen: v7x
topology: tpu7x:2x2x1
jax: 0.10.2.dev20260603
libtpu: 0.0.44.dev20260713+nightly
codegen_flags: <defaults>
</compile_context>

<pallas_src>
import functools

import jax
import jax.numpy as jnp
from jax import lax
from jax.experimental import pallas as pl
from jax.experimental.pallas import tpu as pltpu
from jax.experimental.pallas import tpu_sc as plsc

_EMBED_DIM = 32
_PAD_DIM = 128
_NUM_CORES = 2
_NUM_SUBCORES = 16
_NUM_WORKERS = _NUM_CORES * _NUM_SUBCORES
_LANES = 16


def _make_gather(batch: int, hist: int):
    assert batch % _NUM_WORKERS == 0
    blk = batch // _NUM_WORKERS
    assert blk % _LANES == 0
    mesh = plsc.VectorSubcoreMesh(core_axis_name="c", subcore_axis_name="s")

    @functools.partial(
        pl.kernel,
        mesh=mesh,
        compiler_params=pltpu.CompilerParams(
            use_tc_tiling_on_sc=True, needs_layout_passes=False),
        out_type=jax.ShapeDtypeStruct((hist, _EMBED_DIM, batch), jnp.float32),
        scratch_types=[
            pltpu.VMEM((hist, blk), jnp.int32),
            pltpu.VMEM((2, blk, _PAD_DIM), jnp.float32),
            pltpu.VMEM((2, _EMBED_DIM, blk), jnp.float32),
            pltpu.SemaphoreType.DMA((2,)),
            pltpu.SemaphoreType.DMA((2,)),
        ],
    )
    def gather_kernel(table_hbm, idx_hbm, out_hbm, idx_v, g_v, t_v, g_sem, w_sem):
        wid = lax.axis_index("s") * _NUM_CORES + lax.axis_index("c")
        col0 = wid * blk
        pltpu.sync_copy(idx_hbm.at[:, pl.ds(col0, blk)], idx_v)

        def gather(h, b):
            return pltpu.make_async_copy(
                table_hbm.at[idx_v.at[h]], g_v.at[b], g_sem.at[b])

        def writeback(h, b):
            return pltpu.make_async_copy(
                t_v.at[b], out_hbm.at[h, :, pl.ds(col0, blk)], w_sem.at[b])

        gather(0, 0).start()
        gather(1, 1).start()

        def body(h, carry):
            b = h % 2
            @pl.when(h >= 2)
            def _():
                writeback(h - 2, b).wait()
            gather(h, b).wait()
            gb = g_v.at[b]
            tb = t_v.at[b]

            @plsc.parallel_loop(0, blk, 1, unroll=16)
            def _(r):
                cb = jnp.full((_LANES,), 0, jnp.int32) + r
                for k in range(_EMBED_DIM // _LANES):
                    vec = gb[r, pl.ds(k * _LANES, _LANES)]
                    plsc.store_scatter(
                        tb, [lax.iota(jnp.int32, _LANES) + k * _LANES, cb], vec)

            writeback(h, b).start()
            @pl.when(h + 2 < hist)
            def _():
                gather(h + 2, b).start()
            return carry

        lax.fori_loop(0, hist, body, 0)
        writeback(hist - 2, hist % 2).wait()
        writeback(hist - 1, (hist + 1) % 2).wait()

    return gather_kernel


def kernel(words, chars, table):
    del chars
    batch, hist = words.shape
    tp = jnp.pad(table, ((0, 0), (0, _PAD_DIM - _EMBED_DIM)))
    out = _make_gather(batch, hist)(tp, words.T)
    return out.transpose(2, 0, 1)

# --- scband reference (transcript-rebuilt; emitter-appended) ---
"""Pipeline reference for scband-word-embeddor-80522046865608 (READ-ONLY COPY).

The authoritative reference and input builder live on the scoring server;
editing this copy changes nothing except your own understanding.
"""

import jax, jax.numpy as jnp
import numpy as np

VOCAB = 1000000
EMBED_DIM = 32
BATCH = 4096
HIST = 50
CHAR_LEN = 16
CHAR_VOCAB = 262

def setup_inputs(seed: int = 0) -> dict:
    key = jax.random.key(seed)
    k1, k2, k3 = jax.random.split(key, 3)
    words = jax.random.randint(k1, (BATCH, HIST), 0, VOCAB, dtype=jnp.int64 if jax.config.jax_enable_x64 else jnp.int32).astype(jnp.int32)
    chars = jax.random.randint(k2, (BATCH, HIST, CHAR_LEN), 0, CHAR_VOCAB).astype(jnp.int32)
    table = jax.random.normal(k3, (VOCAB, EMBED_DIM), dtype=jnp.float32)
    return {"words": words, "chars": chars, "table": table}

def reference(words, chars, table):
    # WordEmbeddor.forward: return self.embedding(words); chars is accepted but unused.
    return jnp.take(table, words, axis=0)

if __name__ == "__main__":
    import jax
    _d = setup_inputs()
    print(jax.jit(kernel)(*tuple(_d.values())))

</pallas_src>

<mosaic_0001>
#map = affine_map<(d0, d1) -> (0, 0)>
#map1 = affine_map<(d0, d1) -> (0, 0, 0)>
module attributes {stable_mosaic.version = 14 : i64} {
  func.func @gather_kernel(%arg0: i32, %arg1: i32, %arg2: memref<1000000x128xf32, #tpu.memory_space<hbm>>, %arg3: memref<50x4096xi32, #tpu.memory_space<hbm>>, %arg4: memref<50x32x4096xf32, #tpu.memory_space<hbm>>, %arg5: memref<50x128xi32, #tpu.memory_space<vmem>>, %arg6: memref<2x128x128xf32, #tpu.memory_space<vmem>>, %arg7: memref<2x32x128xf32, #tpu.memory_space<vmem>>, %arg8: memref<2x!tpu.dma_semaphore, #tpu.memory_space<semaphore_mem>>, %arg9: memref<2x!tpu.dma_semaphore, #tpu.memory_space<semaphore_mem>>) attributes {dimension_semantics = [#tpu.dimension_semantics<core_parallel>, #tpu.dimension_semantics<subcore_parallel>], iteration_bounds = array<i64: 2, 16>, scalar_prefetch = 0 : i64, scratch_operands = 5 : i64, tpu.core_type = #tpu.core_type<sc_vector_subcore>, window_params = [{transform_indices = #map}, {transform_indices = #map}, {transform_indices = #map1}]} {
    %mul3A = arith.constant 2 : i32
    %mul3A_0 = arith.muli %arg1, %mul3A : i32
    %add3A = arith.addi %mul3A_0, %arg0 : i32
    %mul3A_1 = arith.constant 128 : i32
    %mul3A_2 = arith.muli %add3A, %mul3A_1 : i32
    "tpu.region"() ({
      %run_scoped3A = tpu.sem_alloc : memref<!tpu.dma_semaphore, #tpu.memory_space<semaphore_mem>>
      %dma_start3A_74 = arith.constant 0 : i32
      %dma_start3A_75 = tpu.memref_slice %arg3[%dma_start3A_74, %mul3A_2] : memref<50x4096xi32, #tpu.memory_space<hbm>> -> memref<50x128xi32, #tpu.memory_space<hbm>>
      %dma_start3A_76 = arith.constant 0 : i32
      %dma_start3A_77 = tpu.memref_slice %arg3[%dma_start3A_76, %mul3A_2] : memref<50x4096xi32, #tpu.memory_space<hbm>> -> memref<50x128xi32, #tpu.memory_space<hbm>>
      tpu.enqueue_dma source(%dma_start3A_77 : memref<50x128xi32, #tpu.memory_space<hbm>>) target(%arg5 : memref<50x128xi32, #tpu.memory_space<vmem>>) target_semaphore(%run_scoped3A : memref<!tpu.dma_semaphore, #tpu.memory_space<semaphore_mem>>)
      %dma_wait3A_78 = arith.constant 0 : i32
      %dma_wait3A_79 = tpu.memref_slice %arg3[%dma_wait3A_78, %mul3A_2] : memref<50x4096xi32, #tpu.memory_space<hbm>> -> memref<50x128xi32, #tpu.memory_space<hbm>>
      %dma_wait3A_80 = arith.constant 0 : i32
      %dma_wait3A_81 = tpu.memref_slice %arg3[%dma_wait3A_80, %mul3A_2] : memref<50x4096xi32, #tpu.memory_space<hbm>> -> memref<50x128xi32, #tpu.memory_space<hbm>>
      tpu.wait_dma2 semaphore(%run_scoped3A : memref<!tpu.dma_semaphore, #tpu.memory_space<semaphore_mem>>) src(%dma_wait3A_81 : memref<50x128xi32, #tpu.memory_space<hbm>>) dst(%arg5 : memref<50x128xi32, #tpu.memory_space<vmem>>)
      tpu.yield
    }) : () -> ()
    %dma_start3A = arith.constant 0 : i32
    %dma_start3A_3 = arith.constant 0 : i32
    %dma_start3A_4 = arith.constant 0 : i32
    %dma_start3A_5 = arith.constant 0 : i32
    %dma_start3A_6 = arith.constant 0 : i32
    %dma_start3A_7 = tpu.memref_slice %arg6[%dma_start3A_3, %dma_start3A_5, %dma_start3A_6] : memref<2x128x128xf32, #tpu.memory_space<vmem>> -> memref<1x128x128xf32, #tpu.memory_space<vmem>>
    %dma_start3A_8 = tpu.memref_squeeze %dma_start3A_7 : memref<1x128x128xf32, #tpu.memory_space<vmem>> -> memref<128x128xf32, #tpu.memory_space<vmem>>
    %dma_start3A_9 = arith.constant 0 : i32
    %dma_start3A_10 = tpu.memref_slice %arg5[%dma_start3A, %dma_start3A_9] : memref<50x128xi32, #tpu.memory_space<vmem>> -> memref<1x128xi32, #tpu.memory_space<vmem>>
    %dma_start3A_11 = tpu.memref_squeeze %dma_start3A_10 : memref<1x128xi32, #tpu.memory_space<vmem>> -> memref<128xi32, #tpu.memory_space<vmem>>
    %dma_start3A_12 = arith.constant 0 : i32
    %dma_start3A_13 = arith.constant 0 : i32
    %dma_start3A_14 = tpu.memref_slice %arg2[%dma_start3A_12, %dma_start3A_13] : memref<1000000x128xf32, #tpu.memory_space<hbm>> -> memref<1000000x128xf32, #tpu.memory_space<hbm>>
    %dma_start3A_15 = tpu.memref_slice %arg8[%dma_start3A_4] : memref<2x!tpu.dma_semaphore, #tpu.memory_space<semaphore_mem>> -> memref<1x!tpu.dma_semaphore, #tpu.memory_space<semaphore_mem>>
    %dma_start3A_16 = tpu.memref_squeeze %dma_start3A_15 : memref<1x!tpu.dma_semaphore, #tpu.memory_space<semaphore_mem>> -> memref<!tpu.dma_semaphore, #tpu.memory_space<semaphore_mem>>
    tpu.enqueue_indirect_dma source(%dma_start3A_14 : memref<1000000x128xf32, #tpu.memory_space<hbm>>) target(%dma_start3A_8 : memref<128x128xf32, #tpu.memory_space<vmem>>) offsets(%dma_start3A_11 : memref<128xi32, #tpu.memory_space<vmem>>) semaphore(%dma_start3A_16 : memref<!tpu.dma_semaphore, #tpu.memory_space<semaphore_mem>>)
    %dma_start3A_17 = arith.constant 1 : i32
    %dma_start3A_18 = arith.constant 1 : i32
    %dma_start3A_19 = arith.constant 1 : i32
    %dma_start3A_20 = arith.constant 0 : i32
    %dma_start3A_21 = arith.constant 0 : i32
    %dma_start3A_22 = tpu.memref_slice %arg6[%dma_start3A_18, %dma_start3A_20, %dma_start3A_21] : memref<2x128x128xf32, #tpu.memory_space<vmem>> -> memref<1x128x128xf32, #tpu.memory_space<vmem>>
    %dma_start3A_23 = tpu.memref_squeeze %dma_start3A_22 : memref<1x128x128xf32, #tpu.memory_space<vmem>> -> memref<128x128xf32, #tpu.memory_space<vmem>>
    %dma_start3A_24 = arith.constant 0 : i32
    %dma_start3A_25 = tpu.memref_slice %arg5[%dma_start3A_17, %dma_start3A_24] : memref<50x128xi32, #tpu.memory_space<vmem>> -> memref<1x128xi32, #tpu.memory_space<vmem>>
    %dma_start3A_26 = tpu.memref_squeeze %dma_start3A_25 : memref<1x128xi32, #tpu.memory_space<vmem>> -> memref<128xi32, #tpu.memory_space<vmem>>
    %dma_start3A_27 = arith.constant 0 : i32
    %dma_start3A_28 = arith.constant 0 : i32
    %dma_start3A_29 = tpu.memref_slice %arg2[%dma_start3A_27, %dma_start3A_28] : memref<1000000x128xf32, #tpu.memory_space<hbm>> -> memref<1000000x128xf32, #tpu.memory_space<hbm>>
    %dma_start3A_30 = tpu.memref_slice %arg8[%dma_start3A_19] : memref<2x!tpu.dma_semaphore, #tpu.memory_space<semaphore_mem>> -> memref<1x!tpu.dma_semaphore, #tpu.memory_space<semaphore_mem>>
    %dma_start3A_31 = tpu.memref_squeeze %dma_start3A_30 : memref<1x!tpu.dma_semaphore, #tpu.memory_space<semaphore_mem>> -> memref<!tpu.dma_semaphore, #tpu.memory_space<semaphore_mem>>
    tpu.enqueue_indirect_dma source(%dma_start3A_29 : memref<1000000x128xf32, #tpu.memory_space<hbm>>) target(%dma_start3A_23 : memref<128x128xf32, #tpu.memory_space<vmem>>) offsets(%dma_start3A_26 : memref<128xi32, #tpu.memory_space<vmem>>) semaphore(%dma_start3A_31 : memref<!tpu.dma_semaphore, #tpu.memory_space<semaphore_mem>>)
    %scan3A = arith.constant 0 : i32
    %scan3A_32 = arith.constant 0 : i32
    %scan3A_33 = arith.constant 50 : i32
    %scan3A_34 = arith.addi %scan3A_32, %scan3A_33 : i32
    %scan3A_35 = arith.constant 1 : i32
    scf.for %scan3A_74 = %scan3A_32 to %scan3A_34 step %scan3A_35  : i32 {
      %jit3A = arith.constant 2 : i32
      %eq3A = arith.constant 0 : i32
      %eq3A_75 = arith.cmpi eq, %jit3A, %eq3A : i32
      %jit3A_76 = arith.constant 1 : i32
      %select_n3A = arith.select %eq3A_75, %jit3A_76, %jit3A : i32
      %rem3A = arith.remsi %scan3A_74, %select_n3A : i32
      %ne3A = arith.constant 0 : i32
      %ne3A_77 = arith.cmpi ne, %rem3A, %ne3A : i32
      %lt3A = arith.constant 0 : i32
      %lt3A_78 = arith.cmpi slt, %rem3A, %lt3A : i32
      %lt3A_79 = arith.constant 0 : i32
      %lt3A_80 = arith.cmpi slt, %select_n3A, %lt3A_79 : i32
      %ne3A_81 = arith.xori %lt3A_78, %lt3A_80 : i1
      %and3A = arith.andi %ne3A_81, %ne3A_77 : i1
      %add3A_82 = arith.addi %rem3A, %select_n3A : i32
      %select_n3A_83 = arith.select %and3A, %add3A_82, %rem3A : i32
      %ge3A = arith.constant 2 : i32
      %ge3A_84 = arith.cmpi sge, %scan3A_74, %ge3A : i32
      %convert_element_type3A = arith.extui %ge3A_84 : i1 to i32
      %cond3A = arith.constant 0 : i32
      %cond3A_85 = arith.cmpi ne, %convert_element_type3A, %cond3A : i32
      scf.if %cond3A_85 {
        %sub3A = arith.constant 2 : i32
        %sub3A_123 = arith.subi %scan3A_74, %sub3A : i32
        %dma_wait3A_124 = arith.constant 0 : i32
        %dma_wait3A_125 = arith.constant 0 : i32
        %dma_wait3A_126 = tpu.memref_slice %arg7[%select_n3A_83, %dma_wait3A_124, %dma_wait3A_125] : memref<2x32x128xf32, #tpu.memory_space<vmem>> -> memref<1x32x128xf32, #tpu.memory_space<vmem>>
        %dma_wait3A_127 = tpu.memref_squeeze %dma_wait3A_126 : memref<1x32x128xf32, #tpu.memory_space<vmem>> -> memref<32x128xf32, #tpu.memory_space<vmem>>
        %dma_wait3A_128 = arith.constant 0 : i32
        %dma_wait3A_129 = tpu.memref_slice %arg4[%sub3A_123, %dma_wait3A_128, %mul3A_2] : memref<50x32x4096xf32, #tpu.memory_space<hbm>> -> memref<1x32x128xf32, #tpu.memory_space<hbm>>
        %dma_wait3A_130 = tpu.memref_squeeze %dma_wait3A_129 : memref<1x32x128xf32, #tpu.memory_space<hbm>> -> memref<32x128xf32, #tpu.memory_space<hbm>>
        %dma_wait3A_131 = tpu.memref_slice %arg9[%select_n3A_83] : memref<2x!tpu.dma_semaphore, #tpu.memory_space<semaphore_mem>> -> memref<1x!tpu.dma_semaphore, #tpu.memory_space<semaphore_mem>>
        %dma_wait3A_132 = tpu.memref_squeeze %dma_wait3A_131 : memref<1x!tpu.dma_semaphore, #tpu.memory_space<semaphore_mem>> -> memref<!tpu.dma_semaphore, #tpu.memory_space<semaphore_mem>>
        %dma_wait3A_133 = arith.constant 0 : i32
        %dma_wait3A_134 = tpu.memref_slice %arg4[%sub3A_123, %dma_wait3A_133, %mul3A_2] : memref<50x32x4096xf32, #tpu.memory_space<hbm>> -> memref<1x32x128xf32, #tpu.memory_space<hbm>>
        %dma_wait3A_135 = tpu.memref_squeeze %dma_wait3A_134 : memref<1x32x128xf32, #tpu.memory_space<hbm>> -> memref<32x128xf32, #tpu.memory_space<hbm>>
        %dma_wait3A_136 = arith.constant 0 : i32
        %dma_wait3A_137 = arith.constant 0 : i32
        %dma_wait3A_138 = tpu.memref_slice %arg7[%select_n3A_83, %dma_wait3A_136, %dma_wait3A_137] : memref<2x32x128xf32, #tpu.memory_space<vmem>> -> memref<1x32x128xf32, #tpu.memory_space<vmem>>
        %dma_wait3A_139 = tpu.memref_squeeze %dma_wait3A_138 : memref<1x32x128xf32, #tpu.memory_space<vmem>> -> memref<32x128xf32, #tpu.memory_space<vmem>>
        tpu.wait_dma2 semaphore(%dma_wait3A_132 : memref<!tpu.dma_semaphore, #tpu.memory_space<semaphore_mem>>) src(%dma_wait3A_139 : memref<32x128xf32, #tpu.memory_space<vmem>>) dst(%dma_wait3A_135 : memref<32x128xf32, #tpu.memory_space<hbm>>)
      } else {
      }
      %dma_wait3A_86 = arith.constant 0 : i32
      %dma_wait3A_87 = arith.constant 0 : i32
      %dma_wait3A_88 = tpu.memref_slice %arg6[%select_n3A_83, %dma_wait3A_86, %dma_wait3A_87] : memref<2x128x128xf32, #tpu.memory_space<vmem>> -> memref<1x128x128xf32, #tpu.memory_space<vmem>>
      %dma_wait3A_89 = tpu.memref_squeeze %dma_wait3A_88 : memref<1x128x128xf32, #tpu.memory_space<vmem>> -> memref<128x128xf32, #tpu.memory_space<vmem>>
      %dma_wait3A_90 = arith.constant 0 : i32
      %dma_wait3A_91 = tpu.memref_slice %arg5[%scan3A_74, %dma_wait3A_90] : memref<50x128xi32, #tpu.memory_space<vmem>> -> memref<1x128xi32, #tpu.memory_space<vmem>>
      %dma_wait3A_92 = tpu.memref_squeeze %dma_wait3A_91 : memref<1x128xi32, #tpu.memory_space<vmem>> -> memref<128xi32, #tpu.memory_space<vmem>>
      %dma_wait3A_93 = arith.constant 0 : i32
      %dma_wait3A_94 = arith.constant 0 : i32
      %dma_wait3A_95 = tpu.memref_slice %arg2[%dma_wait3A_93, %dma_wait3A_94] : memref<1000000x128xf32, #tpu.memory_space<hbm>> -> memref<1000000x128xf32, #tpu.memory_space<hbm>>
      %dma_wait3A_96 = tpu.memref_slice %arg8[%select_n3A_83] : memref<2x!tpu.dma_semaphore, #tpu.memory_space<semaphore_mem>> -> memref<1x!tpu.dma_semaphore, #tpu.memory_space<semaphore_mem>>
      %dma_wait3A_97 = tpu.memref_squeeze %dma_wait3A_96 : memref<1x!tpu.dma_semaphore, #tpu.memory_space<semaphore_mem>> -> memref<!tpu.dma_semaphore, #tpu.memory_space<semaphore_mem>>
      tpu.wait_indirect_dma semaphore(%dma_wait3A_97 : memref<!tpu.dma_semaphore, #tpu.memory_space<semaphore_mem>>) src(%dma_wait3A_95 : memref<1000000x128xf32, #tpu.memory_space<hbm>>) dst(%dma_wait3A_89 : memref<128x128xf32, #tpu.memory_space<vmem>>)
      %parallel_loop3A = arith.constant 0 : i32
      %parallel_loop3A_98 = arith.constant 128 : i32
      %parallel_loop3A_99 = arith.constant 1 : i32
      scf.for %parallel_loop3A_123 = %parallel_loop3A to %parallel_loop3A_98 step %parallel_loop3A_99  : i32 {
        %parallel_loop3A_124 = arith.constant 0 : i32
        %parallel_loop3A_125 = vector.broadcast %parallel_loop3A_124 : i32 to vector<16xi32>
        %parallel_loop3A_126 = vector.broadcast %parallel_loop3A_123 : i32 to vector<16xi32>
        %parallel_loop3A_127 = arith.addi %parallel_loop3A_125, %parallel_loop3A_126 : vector<16xi32>
        %parallel_loop3A_128 = arith.constant 0 : i32
        %parallel_loop3A_129 = arith.constant 0 : i32
        %parallel_loop3A_130 = tpu.memref_slice %arg6[%select_n3A_83, %parallel_loop3A_128, %parallel_loop3A_129] : memref<2x128x128xf32, #tpu.memory_space<vmem>> -> memref<1x128x128xf32, #tpu.memory_space<vmem>>
        %parallel_loop3A_131 = tpu.memref_squeeze %parallel_loop3A_130 : memref<1x128x128xf32, #tpu.memory_space<vmem>> -> memref<128x128xf32, #tpu.memory_space<vmem>>
        %parallel_loop3A_132 = arith.index_cast %parallel_loop3A_123 : i32 to index
        %parallel_loop3A_133 = arith.constant 0 : index
        %parallel_loop3A_134 = tpu.vector_load %parallel_loop3A_131[%parallel_loop3A_132, %parallel_loop3A_133] {strides = array<i32>} : memref<128x128xf32, #tpu.memory_space<vmem>>, vector<16xf32>,
        %parallel_loop3A_135 = tpu.iota {dimensions = array<i32: 0>} : vector<16xi32>
        %parallel_loop3A_136 = arith.constant 0 : i32
        %parallel_loop3A_137 = vector.broadcast %parallel_loop3A_136 : i32 to vector<16xi32>
        %parallel_loop3A_138 = arith.addi %parallel_loop3A_135, %parallel_loop3A_137 : vector<16xi32>
        %parallel_loop3A_139 = arith.constant 0 : i32
        %parallel_loop3A_140 = arith.constant 0 : i32
        %parallel_loop3A_141 = tpu.memref_slice %arg7[%select_n3A_83, %parallel_loop3A_139, %parallel_loop3A_140] : memref<2x32x128xf32, #tpu.memory_space<vmem>> -> memref<1x32x128xf32, #tpu.memory_space<vmem>>
        %parallel_loop3A_142 = tpu.memref_squeeze %parallel_loop3A_141 : memref<1x32x128xf32, #tpu.memory_space<vmem>> -> memref<32x128xf32, #tpu.memory_space<vmem>>
        tpu.vector_store_idx %parallel_loop3A_142[%parallel_loop3A_138, %parallel_loop3A_127], %parallel_loop3A_134 : memref<32x128xf32, #tpu.memory_space<vmem>>[vector<16xi32>, vector<16xi32>], vector<16xf32>,
        %parallel_loop3A_143 = arith.constant 0 : i32
        %parallel_loop3A_144 = arith.constant 0 : i32
        %parallel_loop3A_145 = tpu.memref_slice %arg6[%select_n3A_83, %parallel_loop3A_143, %parallel_loop3A_144] : memref<2x128x128xf32, #tpu.memory_space<vmem>> -> memref<1x128x128xf32, #tpu.memory_space<vmem>>
        %parallel_loop3A_146 = tpu.memref_squeeze %parallel_loop3A_145 : memref<1x128x128xf32, #tpu.memory_space<vmem>> -> memref<128x128xf32, #tpu.memory_space<vmem>>
        %parallel_loop3A_147 = arith.index_cast %parallel_loop3A_123 : i32 to index
        %parallel_loop3A_148 = arith.constant 16 : index
        %parallel_loop3A_149 = tpu.vector_load %parallel_loop3A_146[%parallel_loop3A_147, %parallel_loop3A_148] {strides = array<i32>} : memref<128x128xf32, #tpu.memory_space<vmem>>, vector<16xf32>,
        %parallel_loop3A_150 = tpu.iota {dimensions = array<i32: 0>} : vector<16xi32>
        %parallel_loop3A_151 = arith.constant 16 : i32
        %parallel_loop3A_152 = vector.broadcast %parallel_loop3A_151 : i32 to vector<16xi32>
        %parallel_loop3A_153 = arith.addi %parallel_loop3A_150, %parallel_loop3A_152 : vector<16xi32>
        %parallel_loop3A_154 = arith.constant 0 : i32
        %parallel_loop3A_155 = arith.constant 0 : i32
        %parallel_loop3A_156 = tpu.memref_slice %arg7[%select_n3A_83, %parallel_loop3A_154, %parallel_loop3A_155] : memref<2x32x128xf32, #tpu.memory_space<vmem>> -> memref<1x32x128xf32, #tpu.memory_space<vmem>>
        %parallel_loop3A_157 = tpu.memref_squeeze %parallel_loop3A_156 : memref<1x32x128xf32, #tpu.memory_space<vmem>> -> memref<32x128xf32, #tpu.memory_space<vmem>>
        tpu.vector_store_idx %parallel_loop3A_157[%parallel_loop3A_153, %parallel_loop3A_127], %parallel_loop3A_149 : memref<32x128xf32, #tpu.memory_space<vmem>>[vector<16xi32>, vector<16xi32>], vector<16xf32>,
      } {sc.loop_unroll_factor = 16 : i64, sc.parallel_access}
      %dma_start3A_100 = arith.constant 0 : i32
      %dma_start3A_101 = arith.constant 0 : i32
      %dma_start3A_102 = tpu.memref_slice %arg7[%select_n3A_83, %dma_start3A_100, %dma_start3A_101] : memref<2x32x128xf32, #tpu.memory_space<vmem>> -> memref<1x32x128xf32, #tpu.memory_space<vmem>>
      %dma_start3A_103 = tpu.memref_squeeze %dma_start3A_102 : memref<1x32x128xf32, #tpu.memory_space<vmem>> -> memref<32x128xf32, #tpu.memory_space<vmem>>
      %dma_start3A_104 = arith.constant 0 : i32
      %dma_start3A_105 = tpu.memref_slice %arg4[%scan3A_74, %dma_start3A_104, %mul3A_2] : memref<50x32x4096xf32, #tpu.memory_space<hbm>> -> memref<1x32x128xf32, #tpu.memory_space<hbm>>
      %dma_start3A_106 = tpu.memref_squeeze %dma_start3A_105 : memref<1x32x128xf32, #tpu.memory_space<hbm>> -> memref<32x128xf32, #tpu.memory_space<hbm>>
      %dma_start3A_107 = tpu.memref_slice %arg9[%select_n3A_83] : memref<2x!tpu.dma_semaphore, #tpu.memory_space<semaphore_mem>> -> memref<1x!tpu.dma_semaphore, #tpu.memory_space<semaphore_mem>>
      %dma_start3A_108 = tpu.memref_squeeze %dma_start3A_107 : memref<1x!tpu.dma_semaphore, #tpu.memory_space<semaphore_mem>> -> memref<!tpu.dma_semaphore, #tpu.memory_space<semaphore_mem>>
      %dma_start3A_109 = arith.constant 0 : i32
      %dma_start3A_110 = tpu.memref_slice %arg4[%scan3A_74, %dma_start3A_109, %mul3A_2] : memref<50x32x4096xf32, #tpu.memory_space<hbm>> -> memref<1x32x128xf32, #tpu.memory_space<hbm>>
      %dma_start3A_111 = tpu.memref_squeeze %dma_start3A_110 : memref<1x32x128xf32, #tpu.memory_space<hbm>> -> memref<32x128xf32, #tpu.memory_space<hbm>>
      %dma_start3A_112 = arith.constant 0 : i32
      %dma_start3A_113 = arith.constant 0 : i32
      %dma_start3A_114 = tpu.memref_slice %arg7[%select_n3A_83, %dma_start3A_112, %dma_start3A_113] : memref<2x32x128xf32, #tpu.memory_space<vmem>> -> memref<1x32x128xf32, #tpu.memory_space<vmem>>
      %dma_start3A_115 = tpu.memref_squeeze %dma_start3A_114 : memref<1x32x128xf32, #tpu.memory_space<vmem>> -> memref<32x128xf32, #tpu.memory_space<vmem>>
      tpu.enqueue_dma source(%dma_start3A_115 : memref<32x128xf32, #tpu.memory_space<vmem>>) target(%dma_start3A_111 : memref<32x128xf32, #tpu.memory_space<hbm>>) target_semaphore(%dma_start3A_108 : memref<!tpu.dma_semaphore, #tpu.memory_space<semaphore_mem>>)
      %add3A_116 = arith.constant 2 : i32
      %add3A_117 = arith.addi %scan3A_74, %add3A_116 : i32
      %lt3A_118 = arith.constant 50 : i32
      %lt3A_119 = arith.cmpi slt, %add3A_117, %lt3A_118 : i32
      %convert_element_type3A_120 = arith.extui %lt3A_119 : i1 to i32
      %cond3A_121 = arith.constant 0 : i32
      %cond3A_122 = arith.cmpi ne, %convert_element_type3A_120, %cond3A_121 : i32
      scf.if %cond3A_122 {
        %add3A_123 = arith.constant 2 : i32
        %add3A_124 = arith.addi %scan3A_74, %add3A_123 : i32
        %dma_start3A_125 = arith.constant 0 : i32
        %dma_start3A_126 = arith.constant 0 : i32
        %dma_start3A_127 = tpu.memref_slice %arg6[%select_n3A_83, %dma_start3A_125, %dma_start3A_126] : memref<2x128x128xf32, #tpu.memory_space<vmem>> -> memref<1x128x128xf32, #tpu.memory_space<vmem>>
        %dma_start3A_128 = tpu.memref_squeeze %dma_start3A_127 : memref<1x128x128xf32, #tpu.memory_space<vmem>> -> memref<128x128xf32, #tpu.memory_space<vmem>>
        %dma_start3A_129 = arith.constant 0 : i32
        %dma_start3A_130 = tpu.memref_slice %arg5[%add3A_124, %dma_start3A_129] : memref<50x128xi32, #tpu.memory_space<vmem>> -> memref<1x128xi32, #tpu.memory_space<vmem>>
        %dma_start3A_131 = tpu.memref_squeeze %dma_start3A_130 : memref<1x128xi32, #tpu.memory_space<vmem>> -> memref<128xi32, #tpu.memory_space<vmem>>
        %dma_start3A_132 = arith.constant 0 : i32
        %dma_start3A_133 = arith.constant 0 : i32
        %dma_start3A_134 = tpu.memref_slice %arg2[%dma_start3A_132, %dma_start3A_133] : memref<1000000x128xf32, #tpu.memory_space<hbm>> -> memref<1000000x128xf32, #tpu.memory_space<hbm>>
        %dma_start3A_135 = tpu.memref_slice %arg8[%select_n3A_83] : memref<2x!tpu.dma_semaphore, #tpu.memory_space<semaphore_mem>> -> memref<1x!tpu.dma_semaphore, #tpu.memory_space<semaphore_mem>>
        %dma_start3A_136 = tpu.memref_squeeze %dma_start3A_135 : memref<1x!tpu.dma_semaphore, #tpu.memory_space<semaphore_mem>> -> memref<!tpu.dma_semaphore, #tpu.memory_space<semaphore_mem>>
        tpu.enqueue_indirect_dma source(%dma_start3A_134 : memref<1000000x128xf32, #tpu.memory_space<hbm>>) target(%dma_start3A_128 : memref<128x128xf32, #tpu.memory_space<vmem>>) offsets(%dma_start3A_131 : memref<128xi32, #tpu.memory_space<vmem>>) semaphore(%dma_start3A_136 : memref<!tpu.dma_semaphore, #tpu.memory_space<semaphore_mem>>)
      } else {
      }
    }
    %scan3A_36 = arith.constant 50 : i32
    %dma_wait3A = arith.constant 0 : i32
    %dma_wait3A_37 = arith.constant 48 : i32
    %dma_wait3A_38 = arith.constant 0 : i32
    %dma_wait3A_39 = arith.constant 0 : i32
    %dma_wait3A_40 = arith.constant 0 : i32
    %dma_wait3A_41 = tpu.memref_slice %arg7[%dma_wait3A, %dma_wait3A_39, %dma_wait3A_40] : memref<2x32x128xf32, #tpu.memory_space<vmem>> -> memref<1x32x128xf32, #tpu.memory_space<vmem>>
    %dma_wait3A_42 = tpu.memref_squeeze %dma_wait3A_41 : memref<1x32x128xf32, #tpu.memory_space<vmem>> -> memref<32x128xf32, #tpu.memory_space<vmem>>
    %dma_wait3A_43 = arith.constant 0 : i32
    %dma_wait3A_44 = tpu.memref_slice %arg4[%dma_wait3A_37, %dma_wait3A_43, %mul3A_2] : memref<50x32x4096xf32, #tpu.memory_space<hbm>> -> memref<1x32x128xf32, #tpu.memory_space<hbm>>
    %dma_wait3A_45 = tpu.memref_squeeze %dma_wait3A_44 : memref<1x32x128xf32, #tpu.memory_space<hbm>> -> memref<32x128xf32, #tpu.memory_space<hbm>>
    %dma_wait3A_46 = tpu.memref_slice %arg9[%dma_wait3A_38] : memref<2x!tpu.dma_semaphore, #tpu.memory_space<semaphore_mem>> -> memref<1x!tpu.dma_semaphore, #tpu.memory_space<semaphore_mem>>
    %dma_wait3A_47 = tpu.memref_squeeze %dma_wait3A_46 : memref<1x!tpu.dma_semaphore, #tpu.memory_space<semaphore_mem>> -> memref<!tpu.dma_semaphore, #tpu.memory_space<semaphore_mem>>
    %dma_wait3A_48 = arith.constant 0 : i32
    %dma_wait3A_49 = tpu.memref_slice %arg4[%dma_wait3A_37, %dma_wait3A_48, %mul3A_2] : memref<50x32x4096xf32, #tpu.memory_space<hbm>> -> memref<1x32x128xf32, #tpu.memory_space<hbm>>
    %dma_wait3A_50 = tpu.memref_squeeze %dma_wait3A_49 : memref<1x32x128xf32, #tpu.memory_space<hbm>> -> memref<32x128xf32, #tpu.memory_space<hbm>>
    %dma_wait3A_51 = arith.constant 0 : i32
    %dma_wait3A_52 = arith.constant 0 : i32
    %dma_wait3A_53 = tpu.memref_slice %arg7[%dma_wait3A, %dma_wait3A_51, %dma_wait3A_52] : memref<2x32x128xf32, #tpu.memory_space<vmem>> -> memref<1x32x128xf32, #tpu.memory_space<vmem>>
    %dma_wait3A_54 = tpu.memref_squeeze %dma_wait3A_53 : memref<1x32x128xf32, #tpu.memory_space<vmem>> -> memref<32x128xf32, #tpu.memory_space<vmem>>
    tpu.wait_dma2 semaphore(%dma_wait3A_47 : memref<!tpu.dma_semaphore, #tpu.memory_space<semaphore_mem>>) src(%dma_wait3A_54 : memref<32x128xf32, #tpu.memory_space<vmem>>) dst(%dma_wait3A_50 : memref<32x128xf32, #tpu.memory_space<hbm>>)
    %dma_wait3A_55 = arith.constant 1 : i32
    %dma_wait3A_56 = arith.constant 49 : i32
    %dma_wait3A_57 = arith.constant 1 : i32
    %dma_wait3A_58 = arith.constant 0 : i32
    %dma_wait3A_59 = arith.constant 0 : i32
    %dma_wait3A_60 = tpu.memref_slice %arg7[%dma_wait3A_55, %dma_wait3A_58, %dma_wait3A_59] : memref<2x32x128xf32, #tpu.memory_space<vmem>> -> memref<1x32x128xf32, #tpu.memory_space<vmem>>
    %dma_wait3A_61 = tpu.memref_squeeze %dma_wait3A_60 : memref<1x32x128xf32, #tpu.memory_space<vmem>> -> memref<32x128xf32, #tpu.memory_space<vmem>>
    %dma_wait3A_62 = arith.constant 0 : i32
    %dma_wait3A_63 = tpu.memref_slice %arg4[%dma_wait3A_56, %dma_wait3A_62, %mul3A_2] : memref<50x32x4096xf32, #tpu.memory_space<hbm>> -> memref<1x32x128xf32, #tpu.memory_space<hbm>>
    %dma_wait3A_64 = tpu.memref_squeeze %dma_wait3A_63 : memref<1x32x128xf32, #tpu.memory_space<hbm>> -> memref<32x128xf32, #tpu.memory_space<hbm>>
    %dma_wait3A_65 = tpu.memref_slice %arg9[%dma_wait3A_57] : memref<2x!tpu.dma_semaphore, #tpu.memory_space<semaphore_mem>> -> memref<1x!tpu.dma_semaphore, #tpu.memory_space<semaphore_mem>>
    %dma_wait3A_66 = tpu.memref_squeeze %dma_wait3A_65 : memref<1x!tpu.dma_semaphore, #tpu.memory_space<semaphore_mem>> -> memref<!tpu.dma_semaphore, #tpu.memory_space<semaphore_mem>>
    %dma_wait3A_67 = arith.constant 0 : i32
    %dma_wait3A_68 = tpu.memref_slice %arg4[%dma_wait3A_56, %dma_wait3A_67, %mul3A_2] : memref<50x32x4096xf32, #tpu.memory_space<hbm>> -> memref<1x32x128xf32, #tpu.memory_space<hbm>>
    %dma_wait3A_69 = tpu.memref_squeeze %dma_wait3A_68 : memref<1x32x128xf32, #tpu.memory_space<hbm>> -> memref<32x128xf32, #tpu.memory_space<hbm>>
    %dma_wait3A_70 = arith.constant 0 : i32
    %dma_wait3A_71 = arith.constant 0 : i32
    %dma_wait3A_72 = tpu.memref_slice %arg7[%dma_wait3A_55, %dma_wait3A_70, %dma_wait3A_71] : memref<2x32x128xf32, #tpu.memory_space<vmem>> -> memref<1x32x128xf32, #tpu.memory_space<vmem>>
    %dma_wait3A_73 = tpu.memref_squeeze %dma_wait3A_72 : memref<1x32x128xf32, #tpu.memory_space<vmem>> -> memref<32x128xf32, #tpu.memory_space<vmem>>
    tpu.wait_dma2 semaphore(%dma_wait3A_66 : memref<!tpu.dma_semaphore, #tpu.memory_space<semaphore_mem>>) src(%dma_wait3A_73 : memref<32x128xf32, #tpu.memory_space<vmem>>) dst(%dma_wait3A_69 : memref<32x128xf32, #tpu.memory_space<hbm>>)
    return
  }
}

</mosaic_0001>

<sc_bundles>
// kernel: kernel.3.cloned.1.call-start
scs
__scs_entry_jumppad:
0x0: {  	(pc) =	sbr.rel $0x88, $3  }
0x1: {  	(tag) =	ssettag $0x0;
	lr =	simm.s32 $0x1  }
0x2: {  	[smem:$0x3F9F] =	sst lr;
	_ =	strace $0xD0000000  }
0x3: {  	_ = 	snop  }
0x4: {  	_ = 	snop  }
0x5: {  	_ = 	snop  }
0x6: {  	_ = 	snop  }
0x7: {  	_ = 	snop  }
__scs_overlays_trampoline_lowered:
0x8: {  	[smem:$0x3FAE] =	sst s0  }
0x9: {  	[smem:$0x3FAF] =	sst s1  }
0xa: {  	[smem:$0x3FB0] =	sst s2  }
0xb: {  	[smem:$0x3FB1] =	sst s3  }
0xc: {  	[smem:$0x3FB2] =	sst s4  }
0xd: {  	[smem:$0x3FB3] =	sst s5  }
0xe: {  	[smem:$0x3FB4] =	sst s6  }
0xf: {  	[smem:$0x3FB5] =	sst s7  }
0x10: {  	[smem:$0x3FB6] =	sst s8  }
0x11: {  	[smem:$0x3FB7] =	sst s9;
	s0 =	simm.s32 @!p0 $0x0  }
0x12: {  	s1 =	sld [smem:$0x3F9D];
	s0 =	simm.s32 @p0 $0x1  }
0x13: {  	[smem:$0x3FB8] =	sst s0;
	s0 =	simm.s32 @!p1 $0x0  }
0x14: {  	s2 =	sld [smem:$0x3F9C];
	s0 =	simm.s32 @p1 $0x1  }
0x15: {  	[smem:$0x3FB9] =	sst s0;
	s0 =	simm.s32 @!p2 $0x0  }
0x16: {  	s3 =	sld [smem:$0x3FDB];
	s0 =	simm.s32 @p2 $0x1  }
0x17: {  	s4 =	simm.s32 $0x1BF5;
	[smem:$0x3FBB] =	sst s0  }
0x18: {  	s0 =	sld [smem:$0x3F9E];
	_ =	swait.ge [sflag:s4], $0x0  }
0x19: {  	s7 =	sld [smem:$0x3F9F]  }
0x1a: {  	s8 =	sadd.s32 $0xFFFFE003, lr  }
0x1b: {  	s9 =	sadd.s32 $0xFFFFFEF7, lr;
	s5 =	simm.s32 $0xFFFFFFFF;
	p2 =	slt.u32 s8, $0xFFFFF086  }
0x1c: {  	p1 =	slt.u32 s9, $0xF7A;
	s5 =	simm.s32 @!p2 $0x0  }
0x1d: {  	s5 =	simm.s32 @p1 $0x1;
	p0 =	seq.s32 s7, s2  }
0x1e: {  	s7 =	smul.u32 @!p0 $0xF7A, s2;
	p2 =	seq.s32 @!p0 s5, $0x0  }
0x1f: {  	s9 =	smul.u32 $0xF7A, s1;
	s8 =	simm.s32 @!p0 $0x1BF5;
	p2 =	por !p2, p0  }
0x20: {  	[sflag:s8] =	ssyncset.s32 @!p0 $0xFFFFF086;
	s6 =	sadd.s32 @!p0 s3, s7;
	s7 =	simm.s32 @!p0 $0x108  }
0x21: {  	s3 =	sadd.s32 s3, s9;
	s6 =	sadd.s32 @!p0 $0x88, s6;
	s7 =	simm.s32 @p2 $0x1082  }
0x22: {  	[simem:s7], [sflag:s8] =	dma.local @!p0 [hbm:s6], $0xF7A  }
0x23: {  	s9 =	sor.u32 $0xD0000000, s2;
	s6 =	simm.s32 $0x108;
	_ =	swait.ge @!p0 [sflag:s8], $0x0  }
0x24: {  	s3 =	sadd.s32 $0x88, s3;
	s6 =	simm.s32 @!p1 $0x1082;
	[sflag:s4] =	ssyncset.s32 $0xFFFFF086  }
0x25: {  	[simem:s6], [sflag:s4] =	dma.local [hbm:s3], $0xF7A  }
0x26: {  	[smem:$0x3F9F] =	sst s1;
	(tag) =	ssettag s2;
	_ =	strace s9  }
0x27: {  	s1 =	sld [smem:$0x3FAF]  }
0x28: {  	s2 =	sld [smem:$0x3FB0]  }
0x29: {  	s4 =	sld [smem:$0x3FB2]  }
0x2a: {  	p0 =	seq.s32 s5, $0x0;
	s5 =	sld [smem:$0x3FB3]  }
0x2b: {  	s6 =	sld [smem:$0x3FB4]  }
0x2c: {  	s7 =	sld [smem:$0x3FB5]  }
0x2d: {  	s3 =	simm.s32 $0x108;
	s8 =	sld [smem:$0x3FB6]  }
0x2e: {  	s3 =	simm.s32 @!p0 $0x1082;
	s9 =	sld [smem:$0x3FB7]  }
0x2f: {  	lr =	sadd.s32 s0, s3;
	s0 =	sld [smem:$0x3FAE]  }
0x30: {  	s3 =	sld [smem:$0x3FB1]  }
0x31: {  	[smem:$0x3FBA] =	sst s10  }
0x32: {  	s10 =	sld [smem:$0x3FB8];
	_ =	sdelay $0x3  }
0x33: {  	p0 =	seq.s32 s10, $0x1;
	s10 =	sld [smem:$0x3FBA];
	_ =	sdelay $0x3  }
0x34: {  	[smem:$0x3FBA] =	sst s10  }
0x35: {  	s10 =	sld [smem:$0x3FB9];
	_ =	sdelay $0x3  }
0x36: {  	p1 =	seq.s32 s10, $0x1;
	s10 =	sld [smem:$0x3FBA];
	_ =	sdelay $0x3  }
0x37: {  	[smem:$0x3FBA] =	sst s10  }
0x38: {  	s10 =	sld [smem:$0x3FBB]  }
0x39: {  	_ = 	snop;
	(pc) =	sbr.ind lr, $3  }
0x3a: {  	_ = 	snop  }
0x3b: {  	_ = 	snop  }
0x3c: {  	p2 =	seq.s32 s10, $0x1;
	s10 =	sld [smem:$0x3FBA]  }
0x3d: {  	_ =	shalt  }
0x3e: {  	_ =	shalt  }
0x3f: {  	_ =	shalt  }
0x40: {  	_ =	shalt  }
0x41: {  	_ =	shalt  }
0x42: {  	_ =	shalt  }
0x43: {  	_ =	shalt  }
0x44: {  	_ =	shalt  }
0x45: {  	_ =	shalt  }
0x46: {  	_ =	shalt  }
0x47: {  	_ =	shalt  }
0x48: {  	_ =	shalt  }
0x49: {  	_ =	shalt  }
0x4a: {  	_ =	shalt  }
0x4b: {  	_ =	shalt  }
0x4c: {  	_ =	shalt  }
0x4d: {  	_ =	shalt  }
0x4e: {  	_ =	shalt  }
0x4f: {  	_ =	shalt  }
0x50: {  	_ =	shalt  }
0x51: {  	_ =	shalt  }
0x52: {  	_ =	shalt  }
0x53: {  	_ =	shalt  }
0x54: {  	_ =	shalt  }
0x55: {  	_ =	shalt  }
0x56: {  	_ =	shalt  }
0x57: {  	_ =	shalt  }
0x58: {  	_ =	shalt  }
0x59: {  	_ =	shalt  }
0x5a: {  	_ =	shalt  }
0x5b: {  	_ =	shalt  }
0x5c: {  	_ =	shalt  }
0x5d: {  	_ =	shalt  }
0x5e: {  	_ =	shalt  }
0x5f: {  	_ =	shalt  }
0x60: {  	_ =	shalt  }
0x61: {  	_ =	shalt  }
0x62: {  	_ =	shalt  }
0x63: {  	_ =	shalt  }
0x64: {  	_ =	shalt  }
0x65: {  	_ =	shalt  }
0x66: {  	_ =	shalt  }
0x67: {  	_ =	shalt  }
0x68: {  	_ =	shalt  }
0x69: {  	_ =	shalt  }
0x6a: {  	_ =	shalt  }
0x6b: {  	_ =	shalt  }
0x6c: {  	_ =	shalt  }
0x6d: {  	_ =	shalt  }
0x6e: {  	_ =	shalt  }
0x6f: {  	_ =	shalt  }
0x70: {  	_ =	shalt  }
0x71: {  	_ =	shalt  }
0x72: {  	_ =	shalt  }
0x73: {  	_ =	shalt  }
0x74: {  	_ =	shalt  }
0x75: {  	_ =	shalt  }
0x76: {  	_ =	shalt  }
0x77: {  	_ =	shalt  }
0x78: {  	_ =	shalt  }
0x79: {  	_ =	shalt  }
0x7a: {  	_ =	shalt  }
0x7b: {  	_ =	shalt  }
0x7c: {  	_ =	shalt  }
0x7d: {  	_ =	shalt  }
0x7e: {  	_ =	shalt  }
0x7f: {  	_ =	shalt  }
0x80: {  	_ =	shalt  }
0x81: {  	_ =	shalt  }
0x82: {  	_ =	shalt  }
0x83: {  	_ =	shalt  }
0x84: {  	_ =	shalt  }
0x85: {  	_ =	shalt  }
0x86: {  	_ =	shalt  }
0x87: {  	_ =	shalt  }
.Lfunc_end0:
.L_simem_size_0:
called_computation_lowered:
.L_overlay_start_0:
0x88: {  	s2 =	sld [smem:$0x3FD9]  }
0x89: {  	s3 =	sld [smem:$0x3FFE];
	_ =	sdelay $0x1  }
0x8a: {  	s1 =	srdreg.scid  }
0x8b: {  	s0 =	sand.u32 $0x1, s1  }
0x8c: {  	s17 =	sshll.u32 s0, $0xA;
	s2 =	sadd.s32 s3, s2  }
0x8d: {  	s2 =	sadd.s32 s2, s17  }
0x8e: {  	[smem:$0x3FC6] =	sst s2  }
0x8f: {  	_ = 	snop  }
0x90: {  	s2 =	sld [smem:$0x3FC9]  }
0x91: {  	s18 =	sld [smem:$0x3FD0];
	(tm) =	ssettm $0x1  }
0x92: {  	s4 =	sld [smem:$0x3FFB];
	_ =	sdelay $0x3  }
0x93: {  	_ =	strace s4  }
0x94: {  	s4 =	sld [smem:$0x3FFC];
	_ =	sdelay $0x3  }
0x95: {  	_ =	strace s4  }
0x96: {  	s4 =	sld [smem:$0x3FFD];
	_ =	sdelay $0x3  }
0x97: {  	_ =	strace s4  }
0x98: {  	_ =	strace $0x8FFFFFFF  }
0x99: {  	s19 =	sld [smem:$0x3FDB];
	_ =	sdelay $0x1  }
0x9a: {  	s5 =	simm.s32 $_scs_section_size  }
0x9b: {  	s6 =	simm.s32 $_size__tile_overlayer_lowered;
	s7 =	simm.s32 $_tile_overlayer_lowered  }
0x9c: {  	s22 =	simm.s32 $0x1BFF;
	s21 =	sshll.u32 s7, $0x1;
	s4 =	sadd.s32 s5, s19  }
0x9d: {  	s8 =	simm.s32 $0x0;
	s20 =	sshll.u32 s6, $0x1;
	s6 =	sadd.s32 s21, s4  }
0x9e: {  	[timem:s8], [sflag:s22] =	dma.local [hbm:s6], s20  }
0x9f: {  	_ =	swait.ge [sflag:s22], s20  }
0xa0: {  	s5 =	ssub.s32 $0x0, s20;
	[sflag:s22] =	ssyncset.done $0x0  }
0xa1: {  	[sflag:s22] =	ssyncadd.s32 s5;
	_ =	sdelay $0x1  }
0xa2: {  	s23 =	simm.s32 $0x1B8B  }
0xa3: {  	_ =	swait.ge [sflag:s23], $0x1  }
0xa4: {  	[sflag:s23] =	ssyncset.done $0x0  }
0xa5: {  	s25 =	simm.s32 $0x1B8E;
	s24 =	sld [smem:$0x3FFE];
	[sflag:s23] =	ssyncadd.s32 $0xFFFFFFFF  }
0xa6: {  	s26 =	simm.s32 $execute0_lowered;
	[smem:$0x3FD2] =	sst s25  }
0xa7: {  	s6 =	sshll.u32 s26, $0x1;
	_ =	strace $0x80000046;
	[dreg:$0x1] =	wrdreg $0xFFFFFFFF  }
0xa8: {  	s28 =	simm.s32 $_size_execute0_lowered;
	s4 =	sadd.s32 s4, s6;
	[dreg:$0x0] =	wrdreg $0x0  }
0xa9: {  	s6 =	sshll.u32 s28, $0x1;
	[dreg:$0x2] =	wrdreg s4  }
0xaa: {  	[dreg:$0x3] =	wrdreg s6  }
0xab: {  	[dreg:$0x4] =	wrdreg $0xC0  }
0xac: {  	_ =	task [dreg:s8], $0x5FFFF  }
0xad: {  	[dreg:$0x1] =	wrdreg $0xFFFFFFFF  }
0xae: {  	[dreg:$0x0] =	wrdreg $0x60  }
0xaf: {  	[dreg:$0x2] =	wrdreg s24  }
0xb0: {  	[dreg:$0x3] =	wrdreg s2  }
0xb1: {  	[dreg:$0x4] =	wrdreg s18  }
0xb2: {  	[dreg:$0x5] =	wrdreg $0x9  }
0xb3: {  	_ =	task.clear_ibuf [dreg:s8], $0x6FFFF;
	_ =	strace $0x90000046  }
0xb4: {  	s29 =	simm.s32 $0x9;
	_ =	strace $0x80000048  }
0xb5: {  	_ =	swait.ge [sflag:s29], $0x1  }
0xb6: {  	[sflag:s29] =	ssyncadd.s32 $0xFFFFFFFF  }
0xb7: {  	_ =	strace $0x90000048  }
0xb8: {  	_ =	sfence  }
0xb9: {  	s30 =	sld [smem:$0x0];
	_ =	sdelay $0x2  }
0xba: {  	s31 =	sshll.u32 s1, $0xD;
	s1 =	sshrl.u32 s1, $0x2  }
0xbb: {  	s3 =	sand.u32 $0x4000, s31;
	s1 =	sadd.s32 s1, s30  }
0xbc: {  	s0 =	sor.u32 s3, s0;
	s1 =	sshll.u32 s1, $0x11  }
0xbd: {  	s0 =	sor.u32 s1, s0  }
0xbe: {  	s0 =	sadd.s32 $0x8F2B, s0  }
0xbf: {  	[sflag:s0] =	ssyncadd.remote.s32 $0x1  }
0xc0: {  	_ =	sfence.sel $0xFFFF  }
0xc1: {  	[dreg:$0x0] =	wrdreg $0xFFFFFFFF;
	(pc) =	sbr.abs _section_cstart, $3  }
0xc2: {  	[dreg:$0x1] =	wrdreg $0xFFFFFFFF  }
0xc3: {  	_ =	task.clear_ibuf [dreg:s8], $0x2FFFF;
	_ =	strace $0x9FFFFFFF  }
0xc4: {  	(tm) =	ssettm $0x7FFFFFFF  }
0xc5: {  	_ =	shalt  }
tec
execute0_lowered:
.L_overlay_start_1:
0x0: {  	(tag) =	ssettag $0x1  }
0x1: {  	s5 =	rddreg [dreg:$0x0]  }
0x2: {  	s6 =	rddreg [dreg:$0x1]  }
0x3: {  	s2 =	rddreg [dreg:$0x2];
	s3 =	srdreg.scid  }
0x4: {  	s0 =	rddreg [dreg:$0x3];
	s1 =	stileid.u32;
	s10 =	simm.s32 $0x8000  }
0x5: {  	s11 =	simm.s32 $0x1800;
	s12 =	simm.s32 $0x5;
	s13 =	simm.s32 $0x80  }
0x6: {  	s14 =	simm.s32 $0x1C00;
	s15 =	simm.s32 $0x5C00;
	s16 =	simm.s32 $0x3  }
0x7: {  	s17 =	simm.s32 $0x4;
	s18 =	simm.s32 $0x0;
	s4 =	sand.u32 $0x1, s3  }
0x8: {  	s3 =	simm.s32 $0x0;
	s7 =	sshll.u32 s1, $0xB;
	s8 =	sshll.u32 s4, $0xA  }
0x9: {  	v0 =	vlaneseq.u32;
	s5 =	sadd.s32 $0xF42800, s5;
	s9 =	ssub.s32 $0x2, s4;
	s4 =	sor.u32 s8, s7  }
0xa: {  	v0 =	vmul.u32 $0x80, v0;
	[smem:$0x7FF] =	sst s3;
	s31 =	sshrl.u32 s9, $0x1;
	s8 =	sshrl.u32 s4, $0x3  }
0xb: {  	_ =	strace $0x80000047;
	s9 =	ssub.s32 s9, s31;
	s6 =	sadd.s32 s6, s8  }
0xc: {  	v1 =	vor.u32 $0x800, v0;
	s8 =	smax.u32 s9, $0x1;
	s9 =	simm.s32 $0x400;
	s7 =	sadd.s32 $0x6000, s6  }
.LBB2_1:
0xd: {  	[tilespmem:s3], [sflag:$0x5] =	stream.strided.gather [hbm4b:s6+s9], $0x1800, s10, s9, $0x38;
	[tilespmem:$0xBC00] =	vst v63  }
0xe: {  	_ = 	snop  }
0xf: {  	[tilespmem:s11], [sflag:$0x5] =	stream.linear.gather [hbm4b:s7+s3], $0x100, $0x38;
	[tilespmem:$0xBC00] =	vst v63  }
0x10: {  	_ =	swait.ge [sflag:s12], $0x1900  }
0x11: {  	[sflag:s12] =	ssyncset.done $0x0  }
0x12: {  	[sflag:s12] =	ssyncadd.s32 $0xFFFFE700  }
0x13: {  	[tilespmem:s14], [sflag:$0x1] =	stream.indirect.gather [hbm4b:s5+s13], $0x80, s3, s13, $0xb8;
	[tilespmem:$0xBC00] =	vst v63  }
0x14: {  	p0 =	por $0x0, $0x0;
	s19 =	simm.s32 $0x0  }
0x15: {  	[tilespmem:s15], [sflag:$0x2] =	stream.indirect.gather [hbm4b:s5+s13], $0x80, s13, s13, $0xb8;
	[tilespmem:$0xBC00] =	vst v63  }
.LBB2_2:
0x16: {  	s20 =	sand.u32 $0x1, s19;
	p1 =	slt.u32 s19, $0x2;
	s22 =	simm.s32 $0x1  }
0x17: {  	s23 =	simm.s32 $0x0;
	s25 =	simm.s32 $0x1;
	s26 =	simm.s32 $0x2  }
0x18: {  	s30 =	simm.s32 $0x3;
	s24 =	simm.s32 $0x5;
	s21 =	sadd.s32 @!p1 $0x3, s20  }
0x19: {  	s31 =	simm.s32 $0x4;
	v2 =	vmov s23;
	v3 =	vmov s25;
	v7 =	vmov s24;
	s24 =	simm.s32 $0x6;
	_ =	swait.ge @!p1 [sflag:s21], $0x1000  }
0x1a: {  	v4 =	vmov s26;
	v5 =	vmov s30;
	v6 =	vmov s31;
	s26 =	simm.s32 $0x7;
	s25 =	simm.s32 $0xF;
	[sflag:s21] =	ssyncset.done @!p1 $0x0  }
0x1b: {  	s30 =	simm.s32 $0x8;
	v2 =	vand.u32 $0x70, v2;
	v8 =	vmov s24;
	v10 =	vmov s25;
	[sflag:s21] =	ssyncadd.s32 @!p1 $0xFFFFF000;
	s21 =	sadd.s32 $0x1, s20  }
0x1c: {  	s22 =	simm.s32 @!p0 $0x0;
	s31 =	simm.s32 $0x9;
	v9 =	vmov s26;
	v11 =	vmov s30;
	v10 =	vand.u32 $0x7F, v10;
	_ =	swait.ge [sflag:s21], $0x4000  }
0x1d: {  	v12 =	vmov s31;
	s26 =	simm.s32 $0xA;
	s22 =	sshll.u32 s22, $0xE;
	v3 =	vand.u32 $0x71, v3;
	v10 =	vbroadcast v10, $0x0;
	[sflag:s21] =	ssyncset.done $0x0  }
0x1e: {  	v7 =	vand.u32 $0x75, v7;
	v13 =	vmov s26;
	s24 =	sor.u32 $0x2000, s22;
	v16 =	vbroadcast v3, $0x0;
	[sflag:s21] =	ssyncadd.s32 $0xFFFFC000  }
0x1f: {  	v2 =	vbroadcast v2, $0x0;
	v3 =	vand.u32 $0x72, v4;
	v17 =	vor.u32 v0, v10;
	v4 =	vld [tilespmem:s24+$0x380]  }
0x20: {  	v20 =	vbroadcast v3, $0x0;
	v3 =	vand.u32 $0x73, v5;
	v21 =	vor.u32 v0, v16;
	v5 =	vld [tilespmem:s24+$0xFFFFFC80]  }
0x21: {  	s30 =	simm.s32 $0xB;
	v19 =	vor.u32 v0, v2;
	v22 =	vbroadcast v3, $0x0;
	v3 =	vand.u32 $0x74, v6;
	v18 =	vld [tilespmem:s24+$0xFFFFFC00]  }
0x22: {  	s31 =	simm.s32 $0xC;
	s25 =	sshll.u32 s20, $0xC;
	v14 =	vmov s30;
	v23 =	vor.u32 v0, v20;
	v24 =	vbroadcast v3, $0x0;
	v6 =	vld [tilespmem:s24+$0xFFFFFD00]  }
0x23: {  	v15 =	vmov s31;
	s26 =	simm.s32 $0xE;
	s22 =	sadd.s32 $0x9C00, s25;
	v7 =	vbroadcast v7, $0x0;
	v26 =	vor.u32 v0, v22;
	v25 =	vld [tilespmem:s24+$0xFFFFFD80]  }
0x24: {  	v8 =	vand.u32 $0x76, v8;
	v27 =	vmov s26;
	v28 =	vld [tilespmem:s24+$0xFFFFFE00];
	v29 =	vor.u32 v0, v24;
	[tilespmem:v17+s22+$0x0] =	vst.idx.msk $0xffff, v4  }
0x25: {  	v8 =	vbroadcast v8, $0x0;
	v4 =	vand.u32 $0x77, v9;
	[tilespmem:v21+s22+$0x0] =	vst.idx.msk $0xffff, v5;
	v5 =	vld [tilespmem:s24+$0xFFFFFE80];
	v17 =	vor.u32 v0, v7  }
0x26: {  	v10 =	vor.u32 v1, v10;
	[tilespmem:v19+s22+$0x0] =	vst.idx.msk $0xffff, v18;
	v9 =	vld [tilespmem:s24+$0x390];
	v18 =	vbroadcast v4, $0x0;
	v4 =	vand.u32 $0x78, v11  }
0x27: {  	[tilespmem:v23+s22+$0x0] =	vst.idx.msk $0xffff, v6;
	v6 =	vld [tilespmem:s24+$0xFFFFFF00];
	v11 =	vor.u32 v0, v8;
	v19 =	vbroadcast v4, $0x0;
	v4 =	vand.u32 $0x79, v12  }
0x28: {  	s23 =	simm.s32 $0xD;
	[tilespmem:v26+s22+$0x0] =	vst.idx.msk $0xffff, v25;
	v12 =	vld [tilespmem:s24+$0xFFFFFF80];
	v21 =	vor.u32 v0, v18;
	v23 =	vbroadcast v4, $0x0;
	v4 =	vand.u32 $0x7A, v13  }
0x29: {  	v3 =	vmov s23;
	[tilespmem:v29+s22+$0x0] =	vst.idx.msk $0xffff, v28;
	v13 =	vld [tilespmem:s24+$0x0];
	v25 =	vor.u32 v0, v19;
	v26 =	vbroadcast v4, $0x0  }
0x2a: {  	v3 =	vand.u32 $0x7D, v3;
	v4 =	vand.u32 $0x7B, v14;
	v14 =	vld [tilespmem:s24+$0x80];
	v61 =	vor.u32 v0, v23;
	[tilespmem:v17+s22+$0x0] =	vst.idx.msk $0xffff, v5  }
0x2b: {  	v62 =	vbroadcast v4, $0x0;
	v4 =	vand.u32 $0x7C, v15;
	[tilespmem:v10+s22+$0x0] =	vst.idx.msk $0xffff, v9;
	v9 =	vld [tilespmem:s24+$0x100];
	v10 =	vor.u32 v0, v26  }
0x2c: {  	v7 =	vor.u32 v1, v7;
	v5 =	vbroadcast v4, $0x0;
	[tilespmem:v11+s22+$0x0] =	vst.idx.msk $0xffff, v6;
	v4 =	vand.u32 $0x7E, v27;
	v27 =	vld [tilespmem:s24+$0xFFFFFE90]  }
0x2d: {  	v3 =	vbroadcast v3, $0x0;
	v6 =	vld [tilespmem:s24+$0x180];
	v11 =	vor.u32 v0, v62;
	[tilespmem:v21+s22+$0x0] =	vst.idx.msk $0xffff, v12  }
0x2e: {  	v12 =	vld [tilespmem:s24+$0x200];
	v15 =	vor.u32 v0, v5;
	[tilespmem:v25+s22+$0x0] =	vst.idx.msk $0xffff, v13  }
0x2f: {  	v17 =	vor.u32 v0, v3;
	v4 =	vbroadcast v4, $0x0;
	v13 =	vld [tilespmem:s24+$0x280];
	[tilespmem:v61+s22+$0x0] =	vst.idx.msk $0xffff, v14  }
0x30: {  	v16 =	vor.u32 v1, v16;
	v25 =	vld [tilespmem:s24+$0xFFFFFC90];
	[tilespmem:v10+s22+$0x0] =	vst.idx.msk $0xffff, v9  }
0x31: {  	v24 =	vor.u32 v1, v24;
	v21 =	vor.u32 v0, v4;
	v14 =	vld [tilespmem:s24+$0x300];
	[tilespmem:v7+s22+$0x0] =	vst.idx.msk $0xffff, v27  }
0x32: {  	v10 =	vor.u32 v1, v20;
	v20 =	vor.u32 v1, v22;
	v22 =	vld [tilespmem:s24+$0xFFFFFE10];
	[tilespmem:v11+s22+$0x0] =	vst.idx.msk $0xffff, v6  }
0x33: {  	v6 =	vld [tilespmem:s24+$0xFFFFFD90];
	[tilespmem:v15+s22+$0x0] =	vst.idx.msk $0xffff, v12  }
0x34: {  	s29 =	simm.s32 $0x17;
	v9 =	vld [tilespmem:s24+$0xFFFFFD10];
	[tilespmem:v17+s22+$0x0] =	vst.idx.msk $0xffff, v13  }
0x35: {  	s25 =	simm.s32 $0x10;
	v63 =	vor.u32 v1, v8;
	v8 =	vmov s29;
	[tilespmem:v16+s22+$0x0] =	vst.idx.msk $0xffff, v25;
	v25 =	vld [tilespmem:s24+$0xFFFFFF10]  }
0x36: {  	s30 =	simm.s32 $0x11;
	s26 =	simm.s32 $0x13;
	v19 =	vor.u32 v1, v19;
	v11 =	vmov s25;
	v16 =	vld [tilespmem:s24+$0xFFFFFF90];
	v17 =	vor.u32 v1, v18;
	[tilespmem:v21+s22+$0x0] =	vst.idx.msk $0xffff, v14  }
0x37: {  	s31 =	simm.s32 $0x12;
	v15 =	vmov s30;
	s30 =	simm.s32 $0x14;
	v13 =	vand.u32 $0x70, v11;
	v11 =	vmov s26;
	v18 =	vld [tilespmem:s24+$0x10];
	[tilespmem:v24+s22+$0x0] =	vst.idx.msk $0xffff, v22  }
0x38: {  	s28 =	sshll.u32 s20, $0xE;
	v12 =	vmov s30;
	s30 =	simm.s32 $0x16;
	v14 =	vmov s31;
	s31 =	simm.s32 $0x15;
	v22 =	vor.u32 v1, v23;
	[tilespmem:v20+s22+$0x0] =	vst.idx.msk $0xffff, v6;
	v20 =	vld [tilespmem:s24+$0x90]  }
0x39: {  	s23 =	sor.u32 $0x1C00, s28;
	s28 =	simm.s32 $0x19;
	v21 =	vld [tilespmem:s24+$0x110];
	[tilespmem:v10+s22+$0x0] =	vst.idx.msk $0xffff, v9;
	v9 =	vmov s31;
	v10 =	vmov s30;
	s31 =	simm.s32 $0x18;
	v23 =	vor.u32 v1, v26  }
0x3a: {  	s29 =	simm.s32 $0x1A;
	s26 =	simm.s32 $0x20;
	v24 =	vld [tilespmem:s24+$0x190];
	v7 =	vmov s31;
	v6 =	vmov s28;
	s28 =	simm.s32 $0x1F;
	[tilespmem:v63+s22+$0x0] =	vst.idx.msk $0xffff, v25;
	v25 =	vor.u32 v1, v62  }
.LBB2_3:
0x3b: {  	p1 =	slt.u32 s26, $0x70;
	v26 =	vmov s29;
	s29 =	sadd.s32 $0xB, s25;
	v27 =	vmov s28;
	[tilespmem:v17+s22+$0x0] =	vst.idx.msk $0xffff, v16;
	v16 =	vld [tilespmem:s24+$0x210];
	v5 =	vor.u32 v1, v5  }
0x3c: {  	s28 =	sadd.s32 $0xC, s25;
	v3 =	vor.u32 v1, v3;
	v17 =	vmov s29;
	v27 =	vand.u32 $0x7F, v27;
	[tilespmem:v19+s22+$0x0] =	vst.idx.msk $0xffff, v18;
	v18 =	vld [tilespmem:s24+$0x290]  }
0x3d: {  	v4 =	vor.u32 v1, v4;
	v19 =	vmov s28;
	v27 =	vbroadcast v27, $0x0;
	[tilespmem:v22+s22+$0x0] =	vst.idx.msk $0xffff, v20;
	v20 =	vld [tilespmem:s24+$0x310]  }
0x3e: {  	v15 =	vand.u32 $0x71, v15;
	v28 =	vor.u32 v1, v2;
	v2 =	vbroadcast v13, $0x0;
	v22 =	vld [tilespmem:s24+$0xFFFFFC10];
	[tilespmem:v23+s22+$0x0] =	vst.idx.msk $0xffff, v21;
	s24 =	sadd.s32 $0x800, s24  }
0x3f: {  	v14 =	vand.u32 $0x72, v14;
	v13 =	vbroadcast v15, $0x0;
	v15 =	vld [tilespmem:s24+$0x380];
	v21 =	vor.u32 v0, v27;
	[tilespmem:v25+s22+$0x0] =	vst.idx.msk $0xffff, v24  }
0x40: {  	v11 =	vand.u32 $0x73, v11;
	v14 =	vbroadcast v14, $0x0;
	v24 =	vor.u32 v0, v2;
	v23 =	vld [tilespmem:s24+$0xFFFFFC00];
	[tilespmem:v5+s22+$0x0] =	vst.idx.msk $0xffff, v16  }
0x41: {  	v12 =	vand.u32 $0x74, v12;
	v11 =	vbroadcast v11, $0x0;
	s28 =	sadd.s32 $0xD, s25;
	v16 =	vor.u32 v0, v13;
	v5 =	vld [tilespmem:s24+$0xFFFFFC80];
	[tilespmem:v3+s22+$0x0] =	vst.idx.msk $0xffff, v18  }
0x42: {  	v12 =	vbroadcast v12, $0x0;
	v25 =	vmov s28;
	s28 =	sadd.s32 $0xE, s25;
	s25 =	smov.u32 s26;
	v18 =	vor.u32 v0, v14;
	v3 =	vld [tilespmem:s24+$0xFFFFFD00];
	[tilespmem:v4+s22+$0x0] =	vst.idx.msk $0xffff, v20  }
0x43: {  	v9 =	vand.u32 $0x75, v9;
	v29 =	vmov s28;
	v20 =	vor.u32 v0, v11;
	v4 =	vld [tilespmem:s24+$0xFFFFFD80];
	[tilespmem:v28+s22+$0x0] =	vst.idx.msk $0xffff, v22  }
0x44: {  	v10 =	vand.u32 $0x76, v10;
	v9 =	vbroadcast v9, $0x0;
	v28 =	vor.u32 v0, v12;
	v22 =	vld [tilespmem:s24+$0xFFFFFE00];
	[tilespmem:v21+s22+$0x0] =	vst.idx.msk $0xffff, v15  }
0x45: {  	v8 =	vand.u32 $0x77, v8;
	v10 =	vbroadcast v10, $0x0;
	v21 =	vor.u32 v1, v27;
	[tilespmem:v24+s22+$0x0] =	vst.idx.msk $0xffff, v23;
	v15 =	vld [tilespmem:s24+$0x390]  }
0x46: {  	v7 =	vand.u32 $0x78, v7;
	v8 =	vbroadcast v8, $0x0;
	[tilespmem:v16+s22+$0x0] =	vst.idx.msk $0xffff, v5;
	v5 =	vld [tilespmem:s24+$0xFFFFFE80];
	v16 =	vor.u32 v0, v9  }
0x47: {  	v6 =	vand.u32 $0x79, v6;
	v7 =	vbroadcast v7, $0x0;
	[tilespmem:v18+s22+$0x0] =	vst.idx.msk $0xffff, v3;
	v3 =	vld [tilespmem:s24+$0xFFFFFF00];
	v18 =	vor.u32 v0, v10  }
0x48: {  	v6 =	vbroadcast v6, $0x0;
	v23 =	vand.u32 $0x7A, v26;
	[tilespmem:v20+s22+$0x0] =	vst.idx.msk $0xffff, v4;
	v4 =	vld [tilespmem:s24+$0xFFFFFF80];
	v20 =	vor.u32 v0, v8  }
0x49: {  	v17 =	vand.u32 $0x7B, v17;
	v24 =	vor.u32 v0, v7;
	v23 =	vbroadcast v23, $0x0;
	[tilespmem:v28+s22+$0x0] =	vst.idx.msk $0xffff, v22;
	v22 =	vld [tilespmem:s24+$0x0]  }
0x4a: {  	v27 =	vor.u32 v0, v6;
	v28 =	vbroadcast v17, $0x0;
	v17 =	vand.u32 $0x7C, v19;
	v26 =	vld [tilespmem:s24+$0x80];
	[tilespmem:v21+s22+$0x0] =	vst.idx.msk $0xffff, v15  }
0x4b: {  	[tilespmem:v16+s22+$0x0] =	vst.idx.msk $0xffff, v5;
	v15 =	vld [tilespmem:s24+$0x100];
	v16 =	vor.u32 v0, v23;
	v5 =	vbroadcast v17, $0x0;
	v17 =	vand.u32 $0x7D, v25  }
0x4c: {  	v19 =	vor.u32 v0, v28;
	[tilespmem:v18+s22+$0x0] =	vst.idx.msk $0xffff, v3;
	v18 =	vld [tilespmem:s24+$0x180];
	v3 =	vbroadcast v17, $0x0;
	v17 =	vand.u32 $0x7E, v29  }
0x4d: {  	[tilespmem:v20+s22+$0x0] =	vst.idx.msk $0xffff, v4;
	v20 =	vld [tilespmem:s24+$0x200];
	v21 =	vor.u32 v0, v5;
	v4 =	vbroadcast v17, $0x0  }
0x4e: {  	[tilespmem:v24+s22+$0x0] =	vst.idx.msk $0xffff, v22;
	v17 =	vld [tilespmem:s24+$0x280];
	v22 =	vor.u32 v0, v3  }
0x4f: {  	[tilespmem:v27+s22+$0x0] =	vst.idx.msk $0xffff, v26;
	v24 =	vld [tilespmem:s24+$0x300];
	v25 =	vor.u32 v0, v4  }
0x50: {  	v13 =	vor.u32 v1, v13;
	v26 =	vld [tilespmem:s24+$0xFFFFFC90];
	[tilespmem:v16+s22+$0x0] =	vst.idx.msk $0xffff, v15  }
0x51: {  	v14 =	vor.u32 v1, v14;
	v16 =	vld [tilespmem:s24+$0xFFFFFD10];
	[tilespmem:v19+s22+$0x0] =	vst.idx.msk $0xffff, v18  }
0x52: {  	v19 =	vor.u32 v1, v11;
	v18 =	vld [tilespmem:s24+$0xFFFFFD90];
	[tilespmem:v21+s22+$0x0] =	vst.idx.msk $0xffff, v20  }
0x53: {  	v21 =	vor.u32 v1, v12;
	v20 =	vld [tilespmem:s24+$0xFFFFFE10];
	[tilespmem:v22+s22+$0x0] =	vst.idx.msk $0xffff, v17  }
0x54: {  	v29 =	vor.u32 v1, v9;
	v27 =	vld [tilespmem:s24+$0xFFFFFE90];
	[tilespmem:v25+s22+$0x0] =	vst.idx.msk $0xffff, v24  }
0x55: {  	s28 =	sadd.s32 $0x1, s26;
	v9 =	vmov s26;
	v25 =	vor.u32 v1, v10;
	[tilespmem:v13+s22+$0x0] =	vst.idx.msk $0xffff, v26;
	v24 =	vld [tilespmem:s24+$0xFFFFFF10]  }
.Ltmp0:
0x56: {  	s29 =	sadd.s32 $0x3, s26;
	v15 =	vmov s28;
	s28 =	sadd.s32 $0x2, s26;
	v17 =	vor.u32 v1, v8;
	v13 =	vand.u32 $0x70, v9;
	[tilespmem:v14+s22+$0x0] =	vst.idx.msk $0xffff, v16;
	v16 =	vld [tilespmem:s24+$0xFFFFFF90];
	(pc) =	sbr.rel @p1 .LBB2_3-.Ltmp0, $4  }
0x57: {  	v11 =	vmov s29;
	s29 =	sadd.s32 $0x5, s26;
	v14 =	vmov s28;
	s28 =	sadd.s32 $0x4, s26;
	[tilespmem:v19+s22+$0x0] =	vst.idx.msk $0xffff, v18;
	v18 =	vld [tilespmem:s24+$0x10];
	v19 =	vor.u32 v1, v7  }
0x58: {  	v22 =	vor.u32 v1, v6;
	v9 =	vmov s29;
	s29 =	sadd.s32 $0x7, s26;
	v12 =	vmov s28;
	s28 =	sadd.s32 $0x6, s26;
	[tilespmem:v21+s22+$0x0] =	vst.idx.msk $0xffff, v20;
	v20 =	vld [tilespmem:s24+$0x90]  }
0x59: {  	v23 =	vor.u32 v1, v23;
	v8 =	vmov s29;
	s29 =	sadd.s32 $0x9, s26;
	v10 =	vmov s28;
	s28 =	sadd.s32 $0x8, s26;
	[tilespmem:v29+s22+$0x0] =	vst.idx.msk $0xffff, v27;
	v21 =	vld [tilespmem:s24+$0x110]  }
0x5a: {  	v6 =	vmov s29;
	s29 =	sadd.s32 $0xA, s25;
	s26 =	sadd.s32 $0x10, s26;
	v7 =	vmov s28;
	s28 =	sadd.s32 $0xF, s25;
	[tilespmem:v25+s22+$0x0] =	vst.idx.msk $0xffff, v24;
	v24 =	vld [tilespmem:s24+$0x190];
	v25 =	vor.u32 v1, v28  }
0x5b: {  	_ =	sdelay $0x2  }
0x5c: {  	v26 =	vmov s29  }
0x5d: {  	v27 =	vmov s28;
	[tilespmem:v17+s22+$0x0] =	vst.idx.msk $0xffff, v16;
	v38 =	vld [tilespmem:s24+$0x210];
	v5 =	vor.u32 v1, v5;
	v41 =	vor.u32 v1, v3  }
0x5e: {  	v40 =	vld [tilespmem:s24+$0x290];
	v4 =	vor.u32 v1, v4;
	v3 =	vbroadcast v13, $0x0;
	v43 =	vand.u32 $0x71, v15;
	[tilespmem:v19+s22+$0x0] =	vst.idx.msk $0xffff, v18  }
0x5f: {  	v42 =	vld [tilespmem:s24+$0x310];
	v2 =	vor.u32 v1, v2;
	v14 =	vand.u32 $0x72, v14;
	v11 =	vand.u32 $0x73, v11;
	[tilespmem:v22+s22+$0x0] =	vst.idx.msk $0xffff, v20  }
0x60: {  	v44 =	vld [tilespmem:s24+$0xFFFFFC10];
	s28 =	sadd.s32 $0x800, s24;
	v12 =	vand.u32 $0x74, v12;
	v9 =	vand.u32 $0x75, v9;
	v13 =	vbroadcast v43, $0x0;
	[tilespmem:v23+s22+$0x0] =	vst.idx.msk $0xffff, v21  }
0x61: {  	v10 =	vand.u32 $0x76, v10;
	v47 =	vld [tilespmem:s28+$0xFFFFFC00];
	v14 =	vbroadcast v14, $0x0;
	v48 =	vor.u32 v0, v3;
	[tilespmem:v25+s22+$0x0] =	vst.idx.msk $0xffff, v24  }
0x62: {  	v8 =	vand.u32 $0x77, v8;
	v49 =	vld [tilespmem:s28+$0xFFFFFC80];
	v11 =	vbroadcast v11, $0x0;
	v50 =	vor.u32 v0, v13;
	[tilespmem:v5+s22+$0x0] =	vst.idx.msk $0xffff, v38  }
0x63: {  	s26 =	sadd.s32 $0xB, s25;
	v6 =	vand.u32 $0x79, v6;
	v51 =	vld [tilespmem:s28+$0xFFFFFD00];
	v9 =	vbroadcast v9, $0x0;
	v52 =	vor.u32 v0, v14;
	[tilespmem:v41+s22+$0x0] =	vst.idx.msk $0xffff, v40  }
0x64: {  	v39 =	vmov s26;
	v54 =	vld [tilespmem:s28+$0xFFFFFD80];
	v10 =	vbroadcast v10, $0x0;
	v55 =	vor.u32 v0, v11;
	[tilespmem:v4+s22+$0x0] =	vst.idx.msk $0xffff, v42  }
0x65: {  	s31 =	sadd.s32 $0xC, s25;
	v27 =	vand.u32 $0x7F, v27;
	v58 =	vld [tilespmem:s28+$0xFFFFFE80];
	v8 =	vbroadcast v8, $0x0;
	v59 =	vor.u32 v0, v9;
	[tilespmem:v2+s22+$0x0] =	vst.idx.msk $0xffff, v44  }
0x66: {  	v28 =	vmov s31;
	v60 =	vld [tilespmem:s28+$0xFFFFFF00];
	v6 =	vbroadcast v6, $0x0;
	v61 =	vor.u32 v0, v10;
	[tilespmem:v48+s22+$0x0] =	vst.idx.msk $0xffff, v47  }
0x67: {  	v12 =	vbroadcast v12, $0x0;
	v62 =	vld [tilespmem:s28+$0xFFFFFF80];
	v27 =	vbroadcast v27, $0x0;
	v63 =	vor.u32 v0, v8;
	[tilespmem:v50+s22+$0x0] =	vst.idx.msk $0xffff, v49  }
0x68: {  	v31 =	vld [tilespmem:s28+$0x80];
	v17 =	vand.u32 $0x7B, v39;
	v33 =	vand.u32 $0x7C, v28;
	v32 =	vor.u32 v0, v6;
	[tilespmem:v52+s22+$0x0] =	vst.idx.msk $0xffff, v51  }
0x69: {  	v45 =	vld [tilespmem:s28+$0x380];
	v56 =	vor.u32 v0, v12;
	v17 =	vbroadcast v17, $0x0;
	v46 =	vor.u32 v0, v27;
	[tilespmem:v55+s22+$0x0] =	vst.idx.msk $0xffff, v54  }
0x6a: {  	s30 =	sadd.s32 $0xE, s25;
	v36 =	vbroadcast v33, $0x0;
	v57 =	vor.u32 v1, v27;
	v27 =	vand.u32 $0x7A, v26;
	v2 =	vld [tilespmem:s28+$0xFFFFFE00];
	[tilespmem:v59+s22+$0x0] =	vst.idx.msk $0xffff, v58  }
0x6b: {  	v29 =	vmov s30;
	v23 =	vbroadcast v27, $0x0;
	v38 =	vld [tilespmem:s28+$0x180];
	v39 =	vor.u32 v0, v17;
	[tilespmem:v61+s22+$0x0] =	vst.idx.msk $0xffff, v60  }
0x6c: {  	v40 =	vand.u32 $0x7E, v29;
	v41 =	vld [tilespmem:s28+$0x200];
	v42 =	vor.u32 v0, v36;
	[tilespmem:v63+s22+$0x0] =	vst.idx.msk $0xffff, v62  }
0x6d: {  	v34 =	vld [tilespmem:s28+$0x100];
	v25 =	vbroadcast v40, $0x0;
	v35 =	vor.u32 v0, v23;
	[tilespmem:v32+s22+$0x0] =	vst.idx.msk $0xffff, v31  }
0x6e: {  	v7 =	vand.u32 $0x78, v7;
	v3 =	vor.u32 v1, v3;
	v63 =	vld [tilespmem:s28+$0xFFFFFC10];
	[tilespmem:v46+s22+$0x0] =	vst.idx.msk $0xffff, v45  }
0x6f: {  	v7 =	vbroadcast v7, $0x0;
	v44 =	vld [tilespmem:s28+$0x300];
	v45 =	vor.u32 v0, v25;
	[tilespmem:v56+s22+$0x0] =	vst.idx.msk $0xffff, v2  }
0x70: {  	v13 =	vor.u32 v1, v13;
	v46 =	vld [tilespmem:s28+$0xFFFFFC90];
	[tilespmem:v39+s22+$0x0] =	vst.idx.msk $0xffff, v38  }
0x71: {  	s29 =	sadd.s32 $0xD, s25;
	v30 =	vor.u32 v0, v7;
	v2 =	vld [tilespmem:s28+$0x0];
	[tilespmem:v42+s22+$0x0] =	vst.idx.msk $0xffff, v41  }
0x72: {  	v53 =	vmov s29;
	v14 =	vor.u32 v1, v14;
	v47 =	vld [tilespmem:s28+$0xFFFFFD10];
	[tilespmem:v35+s22+$0x0] =	vst.idx.msk $0xffff, v34  }
0x73: {  	v37 =	vand.u32 $0x7D, v53;
	v11 =	vor.u32 v1, v11;
	v48 =	vld [tilespmem:s28+$0xFFFFFD90];
	[tilespmem:v3+s22+$0x0] =	vst.idx.msk $0xffff, v63  }
0x74: {  	v22 =	vbroadcast v37, $0x0;
	v10 =	vor.u32 v1, v10;
	v50 =	vld [tilespmem:s28+$0xFFFFFF10];
	[tilespmem:v45+s22+$0x0] =	vst.idx.msk $0xffff, v44  }
0x75: {  	v8 =	vor.u32 v1, v8;
	v51 =	vld [tilespmem:s28+$0xFFFFFF90];
	[tilespmem:v13+s22+$0x0] =	vst.idx.msk $0xffff, v46  }
0x76: {  	v43 =	vor.u32 v0, v22;
	[tilespmem:v30+s22+$0x0] =	vst.idx.msk $0xffff, v2;
	v2 =	vld [tilespmem:s28+$0x280]  }
0x77: {  	v21 =	vld [tilespmem:s28+$0x390];
	[tilespmem:v14+s22+$0x0] =	vst.idx.msk $0xffff, v47  }
0x78: {  	v6 =	vor.u32 v1, v6;
	v53 =	vld [tilespmem:s28+$0x90];
	[tilespmem:v11+s22+$0x0] =	vst.idx.msk $0xffff, v48  }
0x79: {  	v12 =	vor.u32 v1, v12;
	v49 =	vld [tilespmem:s28+$0xFFFFFE10];
	[tilespmem:v10+s22+$0x0] =	vst.idx.msk $0xffff, v50  }
0x7a: {  	v56 =	vor.u32 v1, v17;
	v55 =	vld [tilespmem:s28+$0x190];
	[tilespmem:v8+s22+$0x0] =	vst.idx.msk $0xffff, v51  }
0x7b: {  	v9 =	vor.u32 v1, v9;
	[tilespmem:v43+s22+$0x0] =	vst.idx.msk $0xffff, v2;
	v2 =	vld [tilespmem:s28+$0xFFFFFE90]  }
0x7c: {  	v58 =	vor.u32 v1, v36;
	[tilespmem:v57+s22+$0x0] =	vst.idx.msk $0xffff, v21;
	v57 =	vld [tilespmem:s28+$0x210]  }
0x7d: {  	v62 =	vor.u32 v1, v25;
	[tilespmem:v6+s22+$0x0] =	vst.idx.msk $0xffff, v53;
	v61 =	vld [tilespmem:s28+$0x310]  }
0x7e: {  	v7 =	vor.u32 v1, v7;
	v52 =	vld [tilespmem:s28+$0x10];
	[tilespmem:v12+s22+$0x0] =	vst.idx.msk $0xffff, v49  }
0x7f: {  	v60 =	vor.u32 v1, v22;
	[tilespmem:v56+s22+$0x0] =	vst.idx.msk $0xffff, v55;
	v59 =	vld [tilespmem:s28+$0x290]  }
0x80: {  	v54 =	vor.u32 v1, v23;
	[tilespmem:v9+s22+$0x0] =	vst.idx.msk $0xffff, v2;
	v2 =	vld [tilespmem:s28+$0x110]  }
0x81: {  	[tilespmem:v58+s22+$0x0] =	vst.idx.msk $0xffff, v57  }
0x82: {  	s31 =	sshll.u32 s19, $0x11;
	[tilespmem:v62+s22+$0x0] =	vst.idx.msk $0xffff, v61  }
0x83: {  	s24 =	sor.u32 s4, s31;
	[tilespmem:v7+s22+$0x0] =	vst.idx.msk $0xffff, v52  }
0x84: {  	s24 =	sshrl.u32 s24, $0x3;
	[tilespmem:v60+s22+$0x0] =	vst.idx.msk $0xffff, v59  }
0x85: {  	s20 =	sadd.s32 $0x3, s20;
	p1 =	sgt.u32 s19, $0x2F;
	s24 =	sadd.s32 s2, s24;
	[tilespmem:v54+s22+$0x0] =	vst.idx.msk $0xffff, v2  }
0x86: {  	[hbm4b:s24+s9] =	stream.strided.scatter [tilespmem:s22], [sflag:s20], $0x1000, s10, s9, $0x38;
	[tilespmem:$0xBC00] =	vst v63  }
0x87: {  	s20 =	sshll.u32 @!p1 s19, $0x7  }
0x88: {  	s20 =	sand.u32 @!p1 $0x3FFFFF80, s20  }
0x89: {  	s22 =	simm.s32 @!p1 $0x80;
	s19 =	sadd.s32 $0x1, s19;
	s20 =	sadd.s32 @!p1 $0x100, s20  }
0x8a: {  	[tilespmem:s23], [sflag:s21] =	stream.indirect.gather @!p1 [hbm4b:s5+s22], $0x80, s20, s22, $0xb8;
	[tilespmem:$0xBC00] =	vst v63  }
0x8b: {  	p1 =	sne.s32 s19, $0x32  }
.Ltmp1:
0x8c: {  	_ = 	snop;
	(pc) =	sbr.rel @p1 .LBB2_2-.Ltmp1, $2  }
0x8d: {  	_ =	sdelay $0x2  }
0x8e: {  	p0 =	por !p0, !p0  }
0x8f: {  	s18 =	sadd.s32 $0x1, s18  }
0x90: {  	_ =	swait.ge [sflag:s16], $0x1000;
	p0 =	sne.s32 s18, s8  }
.Ltmp2:
0x91: {  	[sflag:s16] =	ssyncset.done $0x0;
	(pc) =	sbr.rel @p0 .LBB2_1-.Ltmp2, $4  }
0x92: {  	[sflag:s16] =	ssyncadd.s32 $0xFFFFF000  }
0x93: {  	_ =	swait.ge [sflag:s17], $0x1000  }
0x94: {  	[sflag:s17] =	ssyncset.done $0x0  }
0x95: {  	[sflag:s17] =	ssyncadd.s32 $0xFFFFF000  }
0x96: {  	_ =	sfence.sel $0x180000  }
0x97: {  	[bflag:$0x0] =	sbarrier.arrive $0xFFFF  }
0x98: {  	p0 =	sne.s32 s1, $0x0;
	_ =	strace $0x90000047  }
0x99: {  	s0 =	sadd.s32 @!p0 $0x100000, s0;
	[bflag:$0x2] =	sbarrier.arrive $0xFFFF  }
0x9a: {  	[sflag:s0] =	ssyncadd.tile.s32 @!p0 $0x1;
	_ =	shalt  }
.Lfunc_end2:
_tile_overlayer_lowered:
.L_overlay_start_2:
0x9b: {  	(tag) =	ssettag $0x2  }
0x9c: {  	s0 =	rddreg [dreg:$0x0];
	s2 =	stileid.u32  }
0x9d: {  	s1 =	rddreg [dreg:$0x1];
	p0 =	sne.s32 s2, $0x0  }
0x9e: {  	s3 =	rddreg [dreg:$0x2];
	[bflag:$0x3] =	sbarrier.arrive $0xFFFF;
	s2 =	simm.s32 @!p0 $0x1C05  }
0x9f: {  	[timem:s3], [sflag:s2] =	dma.local @!p0 [hbm:s0], s1  }
0xa0: {  	s0 =	simm.s32 @!p0 $0x5  }
0xa1: {  	_ =	swait.ge @!p0 [sflag:s0], s1  }
0xa2: {  	s1 =	ssub.s32 @!p0 $0x0, s1;
	[sflag:s0] =	ssyncset.done @!p0 $0x0  }
0xa3: {  	[sflag:s0] =	ssyncadd.s32 @!p0 s1  }
0xa4: {  	[bflag:$0x3] =	sbarrier.arrive $0xFFFF  }
0xa5: {  	_ =	shalt  }

</sc_bundles>
